<compile_context>
chip_gen: v7x
topology: tpu7x:2x2x1
jax: 0.10.2.dev20260603
libtpu: 0.0.44.dev20260713+nightly
codegen_flags: <defaults>
</compile_context>

<pallas_src>
import functools

import jax
import jax.numpy as jnp
from jax import lax
from jax.experimental import pallas as pl
from jax.experimental.pallas import tpu as pltpu
from jax.experimental.pallas import tpu_sc as plsc

TOTAL_TOKENS = 32768
BATCH = 16
D_MODEL = 4096
LANES = 16
N_SLICES = D_MODEL // LANES

_mesh = plsc.VectorSubcoreMesh(core_axis_name="c", subcore_axis_name="s",
                               num_cores=1)


@functools.partial(
    pl.kernel,
    mesh=_mesh,
    out_type=jax.ShapeDtypeStruct((BATCH, D_MODEL), jnp.float32),
    scratch_types=[
        pltpu.VMEM((LANES,), jnp.int32),
        pltpu.VMEM((1,), jnp.int32),
        pltpu.VMEM((1, D_MODEL), jnp.float32),
        pltpu.SemaphoreType.DMA,
    ],
    compiler_params=pltpu.CompilerParams(needs_layout_passes=False),
)
def _pooler(hs_hbm, lens_hbm, out_hbm, lens_v, idx1, row_v, sem):
    r = lax.axis_index("s")

    pltpu.sync_copy(lens_hbm, lens_v)
    lens = lens_v[...]
    csum = jnp.cumsum(lens)
    iota = lax.iota(jnp.int32, LANES)
    plsc.store_scatter(idx1, [jnp.zeros((LANES,), jnp.int32)], csum - 1,
                       mask=iota == r)
    pltpu.async_copy(hs_hbm.at[idx1], row_v, sem).wait()

    @functools.partial(
        plsc.parallel_loop(0, N_SLICES, unroll=8,
                           carry=jnp.zeros((LANES,), jnp.float32))
    )
    def acc(k, a):
        x = row_v[0, pl.ds(k * LANES, LANES)]
        return a + x * x

    ssv = jnp.full((LANES,), jnp.sum(acc))
    ssv = jnp.maximum(ssv, 1e-24)
    y = plsc.bitcast(0x5F3759DF - lax.shift_right_logical(
        plsc.bitcast(ssv, jnp.int32), 1), jnp.float32)
    for _unused in range(3):
        y = y * (1.5 - 0.5 * ssv * y * y)

    @functools.partial(plsc.parallel_loop(0, N_SLICES, unroll=8))
    def _scale(k):
        row_v[0, pl.ds(k * LANES, LANES)] = row_v[0, pl.ds(k * LANES, LANES)] * y

    pltpu.sync_copy(row_v, out_hbm.at[pl.ds(r, 1)])


def kernel(hidden_states, extend_seq_lens):
    return _pooler(hidden_states, extend_seq_lens)

# --- scband reference (transcript-rebuilt; emitter-appended) ---
"""Pipeline reference for scband-pooler-1760936591923 (READ-ONLY COPY).

The authoritative reference and input builder live on the scoring server;
editing this copy changes nothing except your own understanding.
"""

import jax, jax.numpy as jnp
import numpy as np

TOTAL_TOKENS = 32768
BATCH = 16
D_MODEL = 4096


def setup_inputs(seed: int = 0) -> dict:
    key = jax.random.key(seed)
    k1, k2 = jax.random.split(key)
    hidden_states = jax.random.normal(k1, (TOTAL_TOKENS, D_MODEL), dtype=jnp.float32)
    # seq lens in [1, 2048): cumsum max = 16*2047 = 32752 <= TOTAL_TOKENS, so all
    # last-token indices are valid rows of hidden_states.
    extend_seq_lens = jax.random.randint(k2, (BATCH,), 1, 2048, dtype=jnp.int32)
    return {"hidden_states": hidden_states, "extend_seq_lens": extend_seq_lens}


def reference(hidden_states, extend_seq_lens):
    # PoolingType.LAST: gather the last token of each ragged sequence.
    last_token_indices = jnp.cumsum(extend_seq_lens) - 1
    pooled_data = jnp.take(hidden_states, last_token_indices, axis=0)
    # normalize=True -> F.normalize(p=2, dim=1) with eps=1e-12
    norm = jnp.linalg.norm(pooled_data, ord=2, axis=1, keepdims=True)
    pooled_data = pooled_data / jnp.maximum(norm, 1e-12)
    return pooled_data

if __name__ == "__main__":
    import jax
    _d = setup_inputs()
    print(jax.jit(kernel)(*tuple(_d.values())))

</pallas_src>

<mosaic_0001>
#map = affine_map<(d0, d1) -> (0, 0)>
#map1 = affine_map<(d0, d1) -> (0)>
module attributes {stable_mosaic.version = 14 : i64} {
  func.func @_pooler(%arg0: i32, %arg1: i32, %arg2: memref<32768x4096xf32, #tpu.memory_space<hbm>>, %arg3: memref<16xi32, #tpu.memory_space<hbm>>, %arg4: memref<16x4096xf32, #tpu.memory_space<hbm>>, %arg5: memref<16xi32, #tpu.memory_space<vmem>>, %arg6: memref<1xi32, #tpu.memory_space<vmem>>, %arg7: memref<1x4096xf32, #tpu.memory_space<vmem>>, %arg8: memref<!tpu.dma_semaphore, #tpu.memory_space<semaphore_mem>>) attributes {dimension_semantics = [#tpu.dimension_semantics<core_parallel>, #tpu.dimension_semantics<subcore_parallel>], iteration_bounds = array<i64: 1, 16>, scalar_prefetch = 0 : i64, scratch_operands = 4 : i64, tpu.core_type = #tpu.core_type<sc_vector_subcore>, window_params = [{transform_indices = #map}, {transform_indices = #map1}, {transform_indices = #map}]} {
    "tpu.region"() ({
      %run_scoped3A = tpu.sem_alloc : memref<!tpu.dma_semaphore, #tpu.memory_space<semaphore_mem>>
      tpu.enqueue_dma source(%arg3 : memref<16xi32, #tpu.memory_space<hbm>>) target(%arg5 : memref<16xi32, #tpu.memory_space<vmem>>) target_semaphore(%run_scoped3A : memref<!tpu.dma_semaphore, #tpu.memory_space<semaphore_mem>>)
      tpu.wait_dma2 semaphore(%run_scoped3A : memref<!tpu.dma_semaphore, #tpu.memory_space<semaphore_mem>>) src(%arg3 : memref<16xi32, #tpu.memory_space<hbm>>) dst(%arg5 : memref<16xi32, #tpu.memory_space<vmem>>)
      tpu.yield
    }) : () -> ()
    %get3A = arith.constant 0 : index
    %get3A_0 = tpu.vector_load %arg5[%get3A] {strides = array<i32>} : memref<16xi32, #tpu.memory_space<vmem>>, vector<16xi32>,
    %cumsum3A = arith.constant true
    %cumsum3A_1 = vector.broadcast %cumsum3A : i1 to vector<16xi1>
    %cumsum3A_2 = tpu.scan <sum>, %get3A_0 masked %cumsum3A_1 : vector<16xi32>, vector<16xi1> -> vector<16xi32>
    %iota3A = tpu.iota {dimensions = array<i32: 0>} : vector<16xi32>
    %broadcast_in_dim3A = arith.constant 0 : i32
    %broadcast_in_dim3A_3 = vector.broadcast %broadcast_in_dim3A : i32 to vector<16xi32>
    %sub3A = arith.constant 1 : i32
    %sub3A_4 = vector.broadcast %sub3A : i32 to vector<16xi32>
    %sub3A_5 = arith.subi %cumsum3A_2, %sub3A_4 : vector<16xi32>
    %eq3A = vector.broadcast %arg1 : i32 to vector<16xi32>
    %eq3A_6 = arith.cmpi eq, %iota3A, %eq3A : vector<16xi32>
    tpu.vector_store_idx %arg6[%broadcast_in_dim3A_3], %sub3A_5 masked %eq3A_6 : memref<1xi32, #tpu.memory_space<vmem>>[vector<16xi32>], vector<16xi32>, vector<16xi1>
    %dma_start3A = arith.constant 0 : i32
    %dma_start3A_7 = arith.constant 0 : i32
    %dma_start3A_8 = tpu.memref_slice %arg2[%dma_start3A, %dma_start3A_7] : memref<32768x4096xf32, #tpu.memory_space<hbm>> -> memref<32768x4096xf32, #tpu.memory_space<hbm>>
    tpu.enqueue_indirect_dma source(%dma_start3A_8 : memref<32768x4096xf32, #tpu.memory_space<hbm>>) target(%arg7 : memref<1x4096xf32, #tpu.memory_space<vmem>>) offsets(%arg6 : memref<1xi32, #tpu.memory_space<vmem>>) semaphore(%arg8 : memref<!tpu.dma_semaphore, #tpu.memory_space<semaphore_mem>>)
    %dma_wait3A = arith.constant 0 : i32
    %dma_wait3A_9 = arith.constant 0 : i32
    %dma_wait3A_10 = tpu.memref_slice %arg2[%dma_wait3A, %dma_wait3A_9] : memref<32768x4096xf32, #tpu.memory_space<hbm>> -> memref<32768x4096xf32, #tpu.memory_space<hbm>>
    tpu.wait_indirect_dma semaphore(%arg8 : memref<!tpu.dma_semaphore, #tpu.memory_space<semaphore_mem>>) src(%dma_wait3A_10 : memref<32768x4096xf32, #tpu.memory_space<hbm>>) dst(%arg7 : memref<1x4096xf32, #tpu.memory_space<vmem>>)
    %broadcast_in_dim3A_11 = arith.constant 0.000000e+00 : f32
    %broadcast_in_dim3A_12 = vector.broadcast %broadcast_in_dim3A_11 : f32 to vector<16xf32>
    %parallel_loop3A = arith.constant 0 : i32
    %parallel_loop3A_13 = arith.constant 256 : i32
    %parallel_loop3A_14 = arith.constant 1 : i32
    %parallel_loop3A_15 = scf.for %parallel_loop3A_57 = %parallel_loop3A to %parallel_loop3A_13 step %parallel_loop3A_14 iter_args(%parallel_loop3A_58 = %broadcast_in_dim3A_12) -> (vector<16xf32>)  : i32 {
      %parallel_loop3A_59 = arith.constant 16 : i32
      %parallel_loop3A_60 = arith.muli %parallel_loop3A_57, %parallel_loop3A_59 : i32
      %parallel_loop3A_61 = arith.constant 0 : i32
      %parallel_loop3A_62 = arith.index_cast %parallel_loop3A_61 : i32 to index
      %parallel_loop3A_63 = arith.index_cast %parallel_loop3A_60 : i32 to index
      %parallel_loop3A_64 = tpu.vector_load %arg7[%parallel_loop3A_62, %parallel_loop3A_63] {strides = array<i32>} : memref<1x4096xf32, #tpu.memory_space<vmem>>, vector<16xf32>,
      %parallel_loop3A_65 = arith.mulf %parallel_loop3A_64, %parallel_loop3A_64 : vector<16xf32>
      %parallel_loop3A_66 = arith.addf %parallel_loop3A_58, %parallel_loop3A_65 : vector<16xf32>
      scf.yield %parallel_loop3A_66 : vector<16xf32>
    } {sc.loop_unroll_factor = 8 : i64, sc.parallel_access}
    %reduce_sum3A = arith.constant true
    %reduce_sum3A_16 = vector.broadcast %reduce_sum3A : i1 to vector<16xi1>
    %reduce_sum3A_17 = tpu.scan <sum>, %parallel_loop3A_15 masked %reduce_sum3A_16 : vector<16xf32>, vector<16xi1> -> vector<16xf32>
    %reduce_sum3A_18 = vector.extract %reduce_sum3A_17[15] : f32 from vector<16xf32>
    %broadcast_in_dim3A_19 = vector.broadcast %reduce_sum3A_18 : f32 to vector<16xf32>
    %max3A = arith.constant 1.000000e-24 : f32
    %max3A_20 = vector.broadcast %max3A : f32 to vector<16xf32>
    %max3A_21 = arith.maximumf %broadcast_in_dim3A_19, %max3A_20 : vector<16xf32>
    %bitcast3A = vector.bitcast %max3A_21 : vector<16xf32> to vector<16xi32>
    %shift_right_logical3A = arith.constant 1 : i32
    %shift_right_logical3A_22 = vector.broadcast %shift_right_logical3A : i32 to vector<16xi32>
    %shift_right_logical3A_23 = arith.shrui %bitcast3A, %shift_right_logical3A_22 : vector<16xi32>
    %sub3A_24 = arith.constant 1597463007 : i32
    %sub3A_25 = vector.broadcast %sub3A_24 : i32 to vector<16xi32>
    %sub3A_26 = arith.subi %sub3A_25, %shift_right_logical3A_23 : vector<16xi32>
    %bitcast3A_27 = vector.bitcast %sub3A_26 : vector<16xi32> to vector<16xf32>
    %mul3A = arith.constant 5.000000e-01 : f32
    %mul3A_28 = vector.broadcast %mul3A : f32 to vector<16xf32>
    %mul3A_29 = arith.mulf %mul3A_28, %max3A_21 : vector<16xf32>
    %mul3A_30 = arith.mulf %mul3A_29, %bitcast3A_27 : vector<16xf32>
    %mul3A_31 = arith.mulf %mul3A_30, %bitcast3A_27 : vector<16xf32>
    %sub3A_32 = arith.constant 1.500000e+00 : f32
    %sub3A_33 = vector.broadcast %sub3A_32 : f32 to vector<16xf32>
    %sub3A_34 = arith.subf %sub3A_33, %mul3A_31 : vector<16xf32>
    %mul3A_35 = arith.mulf %bitcast3A_27, %sub3A_34 : vector<16xf32>
    %mul3A_36 = arith.constant 5.000000e-01 : f32
    %mul3A_37 = vector.broadcast %mul3A_36 : f32 to vector<16xf32>
    %mul3A_38 = arith.mulf %mul3A_37, %max3A_21 : vector<16xf32>
    %mul3A_39 = arith.mulf %mul3A_38, %mul3A_35 : vector<16xf32>
    %mul3A_40 = arith.mulf %mul3A_39, %mul3A_35 : vector<16xf32>
    %sub3A_41 = arith.constant 1.500000e+00 : f32
    %sub3A_42 = vector.broadcast %sub3A_41 : f32 to vector<16xf32>
    %sub3A_43 = arith.subf %sub3A_42, %mul3A_40 : vector<16xf32>
    %mul3A_44 = arith.mulf %mul3A_35, %sub3A_43 : vector<16xf32>
    %mul3A_45 = arith.constant 5.000000e-01 : f32
    %mul3A_46 = vector.broadcast %mul3A_45 : f32 to vector<16xf32>
    %mul3A_47 = arith.mulf %mul3A_46, %max3A_21 : vector<16xf32>
    %mul3A_48 = arith.mulf %mul3A_47, %mul3A_44 : vector<16xf32>
    %mul3A_49 = arith.mulf %mul3A_48, %mul3A_44 : vector<16xf32>
    %sub3A_50 = arith.constant 1.500000e+00 : f32
    %sub3A_51 = vector.broadcast %sub3A_50 : f32 to vector<16xf32>
    %sub3A_52 = arith.subf %sub3A_51, %mul3A_49 : vector<16xf32>
    %mul3A_53 = arith.mulf %mul3A_44, %sub3A_52 : vector<16xf32>
    %parallel_loop3A_54 = arith.constant 0 : i32
    %parallel_loop3A_55 = arith.constant 256 : i32
    %parallel_loop3A_56 = arith.constant 1 : i32
    scf.for %parallel_loop3A_57 = %parallel_loop3A_54 to %parallel_loop3A_55 step %parallel_loop3A_56  : i32 {
      %parallel_loop3A_58 = arith.constant 16 : i32
      %parallel_loop3A_59 = arith.muli %parallel_loop3A_57, %parallel_loop3A_58 : i32
      %parallel_loop3A_60 = arith.constant 0 : i32
      %parallel_loop3A_61 = arith.index_cast %parallel_loop3A_60 : i32 to index
      %parallel_loop3A_62 = arith.index_cast %parallel_loop3A_59 : i32 to index
      %parallel_loop3A_63 = tpu.vector_load %arg7[%parallel_loop3A_61, %parallel_loop3A_62] {strides = array<i32>} : memref<1x4096xf32, #tpu.memory_space<vmem>>, vector<16xf32>,
      %parallel_loop3A_64 = arith.mulf %parallel_loop3A_63, %mul3A_53 : vector<16xf32>
      %parallel_loop3A_65 = arith.constant 16 : i32
      %parallel_loop3A_66 = arith.muli %parallel_loop3A_57, %parallel_loop3A_65 : i32
      %parallel_loop3A_67 = arith.constant 0 : i32
      %parallel_loop3A_68 = arith.index_cast %parallel_loop3A_67 : i32 to index
      %parallel_loop3A_69 = arith.index_cast %parallel_loop3A_66 : i32 to index
      %parallel_loop3A_70 = tpu.vector_load %arg7[%parallel_loop3A_68, %parallel_loop3A_69] {strides = array<i32>} : memref<1x4096xf32, #tpu.memory_space<vmem>>, vector<16xf32>,
      tpu.vector_store %arg7[%parallel_loop3A_68, %parallel_loop3A_69], %parallel_loop3A_64 {strides = array<i32>} : memref<1x4096xf32, #tpu.memory_space<vmem>>, vector<16xf32>,
    } {sc.loop_unroll_factor = 8 : i64, sc.parallel_access}
    "tpu.region"() ({
      %run_scoped3A = tpu.sem_alloc : memref<!tpu.dma_semaphore, #tpu.memory_space<semaphore_mem>>
      %dma_start3A_57 = arith.constant 0 : i32
      %dma_start3A_58 = tpu.memref_slice %arg4[%arg1, %dma_start3A_57] : memref<16x4096xf32, #tpu.memory_space<hbm>> -> memref<1x4096xf32, #tpu.memory_space<hbm>>
      %dma_start3A_59 = arith.constant 0 : i32
      %dma_start3A_60 = tpu.memref_slice %arg4[%arg1, %dma_start3A_59] : memref<16x4096xf32, #tpu.memory_space<hbm>> -> memref<1x4096xf32, #tpu.memory_space<hbm>>
      tpu.enqueue_dma source(%arg7 : memref<1x4096xf32, #tpu.memory_space<vmem>>) target(%dma_start3A_60 : memref<1x4096xf32, #tpu.memory_space<hbm>>) target_semaphore(%run_scoped3A : memref<!tpu.dma_semaphore, #tpu.memory_space<semaphore_mem>>)
      %dma_wait3A_61 = arith.constant 0 : i32
      %dma_wait3A_62 = tpu.memref_slice %arg4[%arg1, %dma_wait3A_61] : memref<16x4096xf32, #tpu.memory_space<hbm>> -> memref<1x4096xf32, #tpu.memory_space<hbm>>
      %dma_wait3A_63 = arith.constant 0 : i32
      %dma_wait3A_64 = tpu.memref_slice %arg4[%arg1, %dma_wait3A_63] : memref<16x4096xf32, #tpu.memory_space<hbm>> -> memref<1x4096xf32, #tpu.memory_space<hbm>>
      tpu.wait_dma2 semaphore(%run_scoped3A : memref<!tpu.dma_semaphore, #tpu.memory_space<semaphore_mem>>) src(%arg7 : memref<1x4096xf32, #tpu.memory_space<vmem>>) dst(%dma_wait3A_64 : memref<1x4096xf32, #tpu.memory_space<hbm>>)
      tpu.yield
    }) : () -> ()
    return
  }
}

</mosaic_0001>

<sc_bundles>
// kernel: kernel.3.cloned.1.call-start
scs
__scs_entry_jumppad:
0x0: {  	(pc) =	sbr.rel $0x88, $3  }
0x1: {  	(tag) =	ssettag $0x0;
	lr =	simm.s32 $0x1  }
0x2: {  	[smem:$0x3F9F] =	sst lr;
	_ =	strace $0xD0000000  }
0x3: {  	_ = 	snop  }
0x4: {  	_ = 	snop  }
0x5: {  	_ = 	snop  }
0x6: {  	_ = 	snop  }
0x7: {  	_ = 	snop  }
__scs_overlays_trampoline_lowered:
0x8: {  	[smem:$0x3FAE] =	sst s0  }
0x9: {  	[smem:$0x3FAF] =	sst s1  }
0xa: {  	[smem:$0x3FB0] =	sst s2  }
0xb: {  	[smem:$0x3FB1] =	sst s3  }
0xc: {  	[smem:$0x3FB2] =	sst s4  }
0xd: {  	[smem:$0x3FB3] =	sst s5  }
0xe: {  	[smem:$0x3FB4] =	sst s6  }
0xf: {  	[smem:$0x3FB5] =	sst s7  }
0x10: {  	[smem:$0x3FB6] =	sst s8  }
0x11: {  	[smem:$0x3FB7] =	sst s9;
	s0 =	simm.s32 @!p0 $0x0  }
0x12: {  	s1 =	sld [smem:$0x3F9D];
	s0 =	simm.s32 @p0 $0x1  }
0x13: {  	[smem:$0x3FB8] =	sst s0;
	s0 =	simm.s32 @!p1 $0x0  }
0x14: {  	s2 =	sld [smem:$0x3F9C];
	s0 =	simm.s32 @p1 $0x1  }
0x15: {  	[smem:$0x3FB9] =	sst s0;
	s0 =	simm.s32 @!p2 $0x0  }
0x16: {  	s3 =	sld [smem:$0x3FDB];
	s0 =	simm.s32 @p2 $0x1  }
0x17: {  	s4 =	simm.s32 $0x1BF5;
	[smem:$0x3FBB] =	sst s0  }
0x18: {  	s0 =	sld [smem:$0x3F9E];
	_ =	swait.ge [sflag:s4], $0x0  }
0x19: {  	s7 =	sld [smem:$0x3F9F]  }
0x1a: {  	s8 =	sadd.s32 $0xFFFFE003, lr  }
0x1b: {  	s9 =	sadd.s32 $0xFFFFFEF7, lr;
	s5 =	simm.s32 $0xFFFFFFFF;
	p2 =	slt.u32 s8, $0xFFFFF086  }
0x1c: {  	p1 =	slt.u32 s9, $0xF7A;
	s5 =	simm.s32 @!p2 $0x0  }
0x1d: {  	s5 =	simm.s32 @p1 $0x1;
	p0 =	seq.s32 s7, s2  }
0x1e: {  	s7 =	smul.u32 @!p0 $0xF7A, s2;
	p2 =	seq.s32 @!p0 s5, $0x0  }
0x1f: {  	s9 =	smul.u32 $0xF7A, s1;
	s8 =	simm.s32 @!p0 $0x1BF5;
	p2 =	por !p2, p0  }
0x20: {  	[sflag:s8] =	ssyncset.s32 @!p0 $0xFFFFF086;
	s6 =	sadd.s32 @!p0 s3, s7;
	s7 =	simm.s32 @!p0 $0x108  }
0x21: {  	s3 =	sadd.s32 s3, s9;
	s6 =	sadd.s32 @!p0 $0x88, s6;
	s7 =	simm.s32 @p2 $0x1082  }
0x22: {  	[simem:s7], [sflag:s8] =	dma.local @!p0 [hbm:s6], $0xF7A  }
0x23: {  	s9 =	sor.u32 $0xD0000000, s2;
	s6 =	simm.s32 $0x108;
	_ =	swait.ge @!p0 [sflag:s8], $0x0  }
0x24: {  	s3 =	sadd.s32 $0x88, s3;
	s6 =	simm.s32 @!p1 $0x1082;
	[sflag:s4] =	ssyncset.s32 $0xFFFFF086  }
0x25: {  	[simem:s6], [sflag:s4] =	dma.local [hbm:s3], $0xF7A  }
0x26: {  	[smem:$0x3F9F] =	sst s1;
	(tag) =	ssettag s2;
	_ =	strace s9  }
0x27: {  	s1 =	sld [smem:$0x3FAF]  }
0x28: {  	s2 =	sld [smem:$0x3FB0]  }
0x29: {  	s4 =	sld [smem:$0x3FB2]  }
0x2a: {  	p0 =	seq.s32 s5, $0x0;
	s5 =	sld [smem:$0x3FB3]  }
0x2b: {  	s6 =	sld [smem:$0x3FB4]  }
0x2c: {  	s7 =	sld [smem:$0x3FB5]  }
0x2d: {  	s3 =	simm.s32 $0x108;
	s8 =	sld [smem:$0x3FB6]  }
0x2e: {  	s3 =	simm.s32 @!p0 $0x1082;
	s9 =	sld [smem:$0x3FB7]  }
0x2f: {  	lr =	sadd.s32 s0, s3;
	s0 =	sld [smem:$0x3FAE]  }
0x30: {  	s3 =	sld [smem:$0x3FB1]  }
0x31: {  	[smem:$0x3FBA] =	sst s10  }
0x32: {  	s10 =	sld [smem:$0x3FB8];
	_ =	sdelay $0x3  }
0x33: {  	p0 =	seq.s32 s10, $0x1;
	s10 =	sld [smem:$0x3FBA];
	_ =	sdelay $0x3  }
0x34: {  	[smem:$0x3FBA] =	sst s10  }
0x35: {  	s10 =	sld [smem:$0x3FB9];
	_ =	sdelay $0x3  }
0x36: {  	p1 =	seq.s32 s10, $0x1;
	s10 =	sld [smem:$0x3FBA];
	_ =	sdelay $0x3  }
0x37: {  	[smem:$0x3FBA] =	sst s10  }
0x38: {  	s10 =	sld [smem:$0x3FBB]  }
0x39: {  	_ = 	snop;
	(pc) =	sbr.ind lr, $3  }
0x3a: {  	_ = 	snop  }
0x3b: {  	_ = 	snop  }
0x3c: {  	p2 =	seq.s32 s10, $0x1;
	s10 =	sld [smem:$0x3FBA]  }
0x3d: {  	_ =	shalt  }
0x3e: {  	_ =	shalt  }
0x3f: {  	_ =	shalt  }
0x40: {  	_ =	shalt  }
0x41: {  	_ =	shalt  }
0x42: {  	_ =	shalt  }
0x43: {  	_ =	shalt  }
0x44: {  	_ =	shalt  }
0x45: {  	_ =	shalt  }
0x46: {  	_ =	shalt  }
0x47: {  	_ =	shalt  }
0x48: {  	_ =	shalt  }
0x49: {  	_ =	shalt  }
0x4a: {  	_ =	shalt  }
0x4b: {  	_ =	shalt  }
0x4c: {  	_ =	shalt  }
0x4d: {  	_ =	shalt  }
0x4e: {  	_ =	shalt  }
0x4f: {  	_ =	shalt  }
0x50: {  	_ =	shalt  }
0x51: {  	_ =	shalt  }
0x52: {  	_ =	shalt  }
0x53: {  	_ =	shalt  }
0x54: {  	_ =	shalt  }
0x55: {  	_ =	shalt  }
0x56: {  	_ =	shalt  }
0x57: {  	_ =	shalt  }
0x58: {  	_ =	shalt  }
0x59: {  	_ =	shalt  }
0x5a: {  	_ =	shalt  }
0x5b: {  	_ =	shalt  }
0x5c: {  	_ =	shalt  }
0x5d: {  	_ =	shalt  }
0x5e: {  	_ =	shalt  }
0x5f: {  	_ =	shalt  }
0x60: {  	_ =	shalt  }
0x61: {  	_ =	shalt  }
0x62: {  	_ =	shalt  }
0x63: {  	_ =	shalt  }
0x64: {  	_ =	shalt  }
0x65: {  	_ =	shalt  }
0x66: {  	_ =	shalt  }
0x67: {  	_ =	shalt  }
0x68: {  	_ =	shalt  }
0x69: {  	_ =	shalt  }
0x6a: {  	_ =	shalt  }
0x6b: {  	_ =	shalt  }
0x6c: {  	_ =	shalt  }
0x6d: {  	_ =	shalt  }
0x6e: {  	_ =	shalt  }
0x6f: {  	_ =	shalt  }
0x70: {  	_ =	shalt  }
0x71: {  	_ =	shalt  }
0x72: {  	_ =	shalt  }
0x73: {  	_ =	shalt  }
0x74: {  	_ =	shalt  }
0x75: {  	_ =	shalt  }
0x76: {  	_ =	shalt  }
0x77: {  	_ =	shalt  }
0x78: {  	_ =	shalt  }
0x79: {  	_ =	shalt  }
0x7a: {  	_ =	shalt  }
0x7b: {  	_ =	shalt  }
0x7c: {  	_ =	shalt  }
0x7d: {  	_ =	shalt  }
0x7e: {  	_ =	shalt  }
0x7f: {  	_ =	shalt  }
0x80: {  	_ =	shalt  }
0x81: {  	_ =	shalt  }
0x82: {  	_ =	shalt  }
0x83: {  	_ =	shalt  }
0x84: {  	_ =	shalt  }
0x85: {  	_ =	shalt  }
0x86: {  	_ =	shalt  }
0x87: {  	_ =	shalt  }
.Lfunc_end0:
.L_simem_size_0:
called_computation_lowered:
.L_overlay_start_0:
0x88: {  	s0 =	sld [smem:$0x3FD9]  }
0x89: {  	s1 =	sld [smem:$0x3FFE];
	_ =	sdelay $0x3  }
0x8a: {  	s0 =	sadd.s32 s1, s0  }
0x8b: {  	[smem:$0x3FC6] =	sst s0  }
0x8c: {  	_ = 	snop  }
0x8d: {  	s0 =	sld [smem:$0x3FC9]  }
0x8e: {  	s17 =	sld [smem:$0x3FC8]  }
0x8f: {  	s2 =	sld [smem:$0x3FD0];
	(tm) =	ssettm $0x1  }
0x90: {  	s3 =	sld [smem:$0x3FFB];
	_ =	sdelay $0x3  }
0x91: {  	_ =	strace s3  }
0x92: {  	s3 =	sld [smem:$0x3FFC];
	_ =	sdelay $0x3  }
0x93: {  	_ =	strace s3  }
0x94: {  	s3 =	sld [smem:$0x3FFD];
	_ =	sdelay $0x3  }
0x95: {  	_ =	strace s3  }
0x96: {  	_ =	strace $0x8FFFFFFF  }
0x97: {  	s18 =	sld [smem:$0x3FDB];
	_ =	sdelay $0x1  }
0x98: {  	s4 =	simm.s32 $_scs_section_size  }
0x99: {  	s5 =	simm.s32 $_size__tile_overlayer_lowered;
	s6 =	simm.s32 $_tile_overlayer_lowered  }
0x9a: {  	s21 =	simm.s32 $0x1BFF;
	s20 =	sshll.u32 s6, $0x1;
	s3 =	sadd.s32 s4, s18  }
0x9b: {  	s7 =	simm.s32 $0x0;
	s19 =	sshll.u32 s5, $0x1;
	s5 =	sadd.s32 s20, s3  }
0x9c: {  	[timem:s7], [sflag:s21] =	dma.local [hbm:s5], s19  }
0x9d: {  	_ =	swait.ge [sflag:s21], s19  }
0x9e: {  	s4 =	ssub.s32 $0x0, s19;
	[sflag:s21] =	ssyncset.done $0x0  }
0x9f: {  	[sflag:s21] =	ssyncadd.s32 s4;
	_ =	sdelay $0x1  }
0xa0: {  	s22 =	simm.s32 $0x1B8B  }
0xa1: {  	_ =	swait.ge [sflag:s22], $0x1  }
0xa2: {  	[sflag:s22] =	ssyncset.done $0x0  }
0xa3: {  	s23 =	simm.s32 $0x1B8E;
	[sflag:s22] =	ssyncadd.s32 $0xFFFFFFFF  }
0xa4: {  	s24 =	simm.s32 $execute0_lowered;
	[smem:$0x3FD2] =	sst s23  }
0xa5: {  	s4 =	sshll.u32 s24, $0x1;
	_ =	strace $0x80000046;
	[dreg:$0x1] =	wrdreg $0xFFFFFFFF  }
0xa6: {  	s25 =	simm.s32 $_size_execute0_lowered;
	s3 =	sadd.s32 s3, s4;
	[dreg:$0x0] =	wrdreg $0x0  }
0xa7: {  	s4 =	sshll.u32 s25, $0x1;
	[dreg:$0x2] =	wrdreg s3  }
0xa8: {  	[dreg:$0x3] =	wrdreg s4  }
0xa9: {  	[dreg:$0x4] =	wrdreg $0xC0  }
0xaa: {  	_ =	task [dreg:s7], $0x5FFFF  }
0xab: {  	[dreg:$0x1] =	wrdreg $0xFFFFFFFF  }
0xac: {  	[dreg:$0x0] =	wrdreg $0x60  }
0xad: {  	[dreg:$0x2] =	wrdreg s0  }
0xae: {  	[dreg:$0x3] =	wrdreg s17  }
0xaf: {  	[dreg:$0x4] =	wrdreg s2  }
0xb0: {  	[dreg:$0x5] =	wrdreg $0x9  }
0xb1: {  	_ =	task.clear_ibuf [dreg:s7], $0x6FFFF;
	_ =	strace $0x90000046  }
0xb2: {  	s26 =	simm.s32 $0x9;
	_ =	strace $0x80000048  }
0xb3: {  	_ =	swait.ge [sflag:s26], $0x1  }
0xb4: {  	[sflag:s26] =	ssyncadd.s32 $0xFFFFFFFF  }
0xb5: {  	_ =	strace $0x90000048  }
0xb6: {  	_ =	sfence  }
0xb7: {  	s28 =	sld [smem:$0x0];
	_ =	sdelay $0x1  }
0xb8: {  	s29 =	srdreg.scid  }
0xb9: {  	s30 =	sshll.u32 s29, $0xD;
	s31 =	sshrl.u32 s29, $0x2  }
0xba: {  	s1 =	sand.u32 $0x1, s29;
	s2 =	sand.u32 $0x4000, s30;
	s0 =	sadd.s32 s31, s28  }
0xbb: {  	s1 =	sor.u32 s2, s1;
	s0 =	sshll.u32 s0, $0x11  }
0xbc: {  	s0 =	sor.u32 s0, s1  }
0xbd: {  	s0 =	sadd.s32 $0x8F2B, s0  }
0xbe: {  	[sflag:s0] =	ssyncadd.remote.s32 $0x1  }
0xbf: {  	_ =	sfence.sel $0xFFFF  }
0xc0: {  	[dreg:$0x0] =	wrdreg $0xFFFFFFFF;
	(pc) =	sbr.abs _section_cstart, $3  }
0xc1: {  	[dreg:$0x1] =	wrdreg $0xFFFFFFFF  }
0xc2: {  	_ =	task.clear_ibuf [dreg:s7], $0x2FFFF;
	_ =	strace $0x9FFFFFFF  }
0xc3: {  	(tm) =	ssettm $0x7FFFFFFF  }
tec
execute0_lowered:
.L_overlay_start_1:
0x0: {  	(tag) =	ssettag $0x1  }
0x1: {  	s3 =	rddreg [dreg:$0x0]  }
0x2: {  	s1 =	rddreg [dreg:$0x1]  }
0x3: {  	s2 =	rddreg [dreg:$0x2];
	s4 =	simm.s32 $0x0  }
0x4: {  	[smem:$0x7FF] =	sst s4  }
0x5: {  	s0 =	rddreg [dreg:$0x3];
	s26 =	simm.s32 $0x2;
	_ =	strace $0x80000047  }
0x6: {  	[tilespmem:s4], [sflag:$0x2] =	stream.linear.gather [hbm4b:s1+s4], $0x80, $0x38;
	[tilespmem:$0x1100] =	vst v63  }
0x7: {  	_ =	swait.ge [sflag:s26], $0x80  }
0x8: {  	[sflag:s26] =	ssyncset.done $0x0  }
0x9: {  	[sflag:s26] =	ssyncadd.s32 $0xFFFFFF80  }
0xa: {  	v0 =	vld [tilespmem:$0x0];
	_ =	sdelay $0x4  }
0xb: {  	s1 =	stileid.u32;
	(xrf0) =	vadd.scan.msk.s32 $0xffff, v0  }
0xc: {  	v1 =	vlaneseq.u32;
	v0 =	vmov s1  }
0xd: {  	vm0 =	veq.s32 v0, v1  }
0xe: {  	v0 =	vimm.s32 $0x0;
	_ =	sdelay $0x2  }
0xf: {  	v2, _, _ =	vpop (xrf0)  }
0x10: {  	s5 =	simm.s32 $0x80;
	v2 =	vadd.s32 $0xFFFFFFFF, v2  }
0x11: {  	[tilespmem:v0+s5+$0x0] =	vst.idx.msk vm0, v2  }
0x12: {  	v2 =	vld.msk [tilespmem:$0x80], $0x1;
	_ =	sdelay $0x4  }
0x13: {  	v3 =	vshll.u32 v2, $0x5  }
0x14: {  	v2 =	vand.u32 $0x7, v2;
	v3 =	vand.u32 $0xFFFFFF00, v3  }
0x15: {  	v2 =	vor.u32 v2, v3  }
0x16: {  	v1 =	vmul.u32 $0x8, v1;
	v0 =	vperm.xlane v2, v0;
	_ =	sdelay $0x1  }
0x17: {  	v0 =	vadd.s32 v1, v0;
	_ =	sdelay $0x3  }
0x18: {  	vm15 =	vmmov $0xffff;
	s28 =	simm.s32 $0x100  }
0x19: {  	[tilespmem:s28], [sflag:$0x1] =	stream.indirect_vreg.gather [hbm4b:s3+s4], $0x80, v0, vm15, $0xb8;
	[tilespmem:$0x1100] =	vst v63  }
0x1a: {  	s29 =	simm.s32 $0x900;
	s30 =	simm.s32 $0x1;
	s3 =	sadd.s32 $0x800, s3  }
0x1b: {  	[tilespmem:s29], [sflag:$0x1] =	stream.indirect_vreg.gather [hbm4b:s3+s4], $0x80, v0, vm15, $0xb8;
	[tilespmem:$0x1100] =	vst v63  }
0x1c: {  	_ =	swait.ge [sflag:s30], $0x1000  }
0x1d: {  	[sflag:s30] =	ssyncset.done $0x0  }
0x1e: {  	s31 =	simm.s32 $0x140;
	[sflag:s30] =	ssyncadd.s32 $0xFFFFF000  }
0x1f: {  	v0 =	vld [tilespmem:s31+$0xFFFFFFC0];
	_ =	sdelay $0x1  }
0x20: {  	v1 =	vld [tilespmem:s31+$0xFFFFFFD0];
	_ =	sdelay $0x1  }
0x21: {  	v2 =	vld [tilespmem:s31+$0xFFFFFFE0]  }
0x22: {  	v0 =	vmul.f32 v0, v0  }
0x23: {  	v3 =	vimm.f32 $0.0e+00;
	v4 =	vld [tilespmem:s31+$0xFFFFFFF0]  }
0x24: {  	v1 =	vmul.f32 v1, v1;
	v0 =	vadd.f32 v0, v3;
	_ =	sdelay $0x1  }
0x25: {  	v3 =	vld [tilespmem:s31+$0x0];
	v0 =	vadd.f32 v1, v0;
	v1 =	vmul.f32 v2, v2;
	_ =	sdelay $0x1  }
0x26: {  	v5 =	vld [tilespmem:s31+$0x10];
	v0 =	vadd.f32 v1, v0;
	v1 =	vmul.f32 v4, v4;
	_ =	sdelay $0x1  }
0x27: {  	v2 =	vadd.f32 v1, v0;
	v0 =	vld [tilespmem:s31+$0x20]  }
0x28: {  	v3 =	vmul.f32 v3, v3  }
0x29: {  	v1 =	vld [tilespmem:s31+$0x30]  }
0x2a: {  	s3 =	simm.s32 $0x0;
	s4 =	simm.s32 $0x1C0;
	v2 =	vadd.f32 v3, v2;
	v3 =	vmul.f32 v5, v5  }
.LBB2_1:
0x2b: {  	v4 =	vld [tilespmem:s4+$0xFFFFFFC0];
	s3 =	sadd.s32 $0x8, s3  }
0x2c: {  	p0 =	slt.u32 s3, $0xF8;
	v2 =	vadd.f32 v3, v2;
	v0 =	vmul.f32 v0, v0  }
0x2d: {  	v3 =	vld [tilespmem:s4+$0xFFFFFFD0]  }
0x2e: {  	v0 =	vadd.f32 v0, v2;
	v1 =	vmul.f32 v1, v1  }
0x2f: {  	v2 =	vld [tilespmem:s4+$0xFFFFFFE0]  }
0x30: {  	v4 =	vmul.f32 v4, v4;
	v0 =	vadd.f32 v1, v0  }
0x31: {  	v1 =	vld [tilespmem:s4+$0xFFFFFFF0]  }
0x32: {  	v0 =	vadd.f32 v4, v0;
	v3 =	vmul.f32 v3, v3  }
0x33: {  	v4 =	vld [tilespmem:s4+$0x0]  }
0x34: {  	v0 =	vadd.f32 v3, v0;
	v2 =	vmul.f32 v2, v2  }
0x35: {  	v3 =	vld [tilespmem:s4+$0x10]  }
.Ltmp0:
0x36: {  	v2 =	vadd.f32 v2, v0;
	v1 =	vmul.f32 v1, v1;
	(pc) =	sbr.rel @p0 .LBB2_1-.Ltmp0, $4  }
0x37: {  	v0 =	vld [tilespmem:s4+$0x20]  }
0x38: {  	v2 =	vadd.f32 v1, v2;
	v4 =	vmul.f32 v4, v4  }
0x39: {  	v1 =	vld [tilespmem:s4+$0x30]  }
0x3a: {  	s4 =	sadd.s32 $0x80, s4;
	v2 =	vadd.f32 v4, v2;
	v3 =	vmul.f32 v3, v3  }
0x3b: {  	_ = 	snop  }
0x3c: {  	v2 =	vadd.f32 v3, v2;
	v0 =	vmul.f32 v0, v0;
	_ =	sdelay $0x1  }
0x3d: {  	v0 =	vadd.f32 v0, v2;
	v1 =	vmul.f32 v1, v1;
	_ =	sdelay $0x1  }
0x3e: {  	v0 =	vadd.f32 v1, v0;
	_ =	sdelay $0x1  }
0x3f: {  	(xrf2) =	vadd.scan.msk.f32 $0xffff, v0;
	_ =	sdelay $0x9  }
0x40: {  	v0, _, _ =	vpop (xrf2)  }
0x41: {  	v0 =	vmax.f32 v0, $1.000000020e-24  }
0x42: {  	v0 =	vbroadcast v0, $0xF;
	_ =	sdelay $0x1  }
0x43: {  	v1 =	vshrl.u32 v0, $0x1;
	v0 =	vmul.f32 $5.000000000e-01, v0  }
0x44: {  	v1 =	vsub.s32 $0x5F3759DF, v1  }
0x45: {  	v2 =	vmul.f32 v1, v0;
	_ =	sdelay $0x1  }
0x46: {  	v2 =	vmul.f32 v1, v2;
	_ =	sdelay $0x1  }
0x47: {  	v2 =	vsub.f32 $1.500000000e+00, v2;
	_ =	sdelay $0x1  }
0x48: {  	v1 =	vmul.f32 v1, v2;
	_ =	sdelay $0x1  }
0x49: {  	v2 =	vmul.f32 v1, v0;
	_ =	sdelay $0x1  }
0x4a: {  	v2 =	vmul.f32 v2, v1;
	_ =	sdelay $0x1  }
0x4b: {  	v2 =	vsub.f32 $1.500000000e+00, v2;
	_ =	sdelay $0x1  }
0x4c: {  	v1 =	vmul.f32 v2, v1;
	_ =	sdelay $0x1  }
0x4d: {  	v0 =	vmul.f32 v1, v0;
	_ =	sdelay $0x1  }
0x4e: {  	s3 =	simm.s32 $0x140;
	v0 =	vmul.f32 v0, v1  }
0x4f: {  	v2 =	vld [tilespmem:s3+$0x30]  }
0x50: {  	v4 =	vld [tilespmem:s3+$0xFFFFFFD0];
	v0 =	vsub.f32 $1.500000000e+00, v0  }
0x51: {  	v7 =	vld [tilespmem:s3+$0xFFFFFFE0]  }
0x52: {  	v5 =	vld [tilespmem:s3+$0xFFFFFFF0];
	v0 =	vmul.f32 v0, v1  }
0x53: {  	v3 =	vld [tilespmem:s3+$0x0]  }
0x54: {  	v1 =	vld [tilespmem:s3+$0x10];
	v8 =	vmul.f32 v2, v0  }
0x55: {  	v2 =	vld [tilespmem:s3+$0x20];
	v6 =	vmul.f32 v4, v0  }
0x56: {  	s4 =	simm.s32 $0x0;
	s5 =	simm.s32 $0x1C0;
	v4 =	vld [tilespmem:s3+$0xFFFFFFC0];
	v7 =	vmul.f32 v7, v0;
	[tilespmem:s3+$0x30] =	vst v8  }
.LBB2_3:
0x57: {  	v8 =	vld [tilespmem:s5+$0x30];
	s4 =	sadd.s32 $0x8, s4;
	[tilespmem:s3+$0xFFFFFFD0] =	vst v6;
	v5 =	vmul.f32 v5, v0  }
0x58: {  	v6 =	vld [tilespmem:s5+$0xFFFFFFD0];
	p0 =	slt.u32 s4, $0xF8;
	[tilespmem:s3+$0xFFFFFFE0] =	vst v7;
	v3 =	vmul.f32 v3, v0  }
0x59: {  	v7 =	vld [tilespmem:s5+$0xFFFFFFE0];
	[tilespmem:s3+$0xFFFFFFF0] =	vst v5;
	v1 =	vmul.f32 v1, v0  }
.Ltmp1:
0x5a: {  	v5 =	vld [tilespmem:s5+$0xFFFFFFF0];
	[tilespmem:s3+$0x0] =	vst v3;
	v2 =	vmul.f32 v2, v0;
	(pc) =	sbr.rel @p0 .LBB2_3-.Ltmp1, $4  }
0x5b: {  	v3 =	vld [tilespmem:s5+$0x0];
	v4 =	vmul.f32 v4, v0;
	[tilespmem:s3+$0x10] =	vst v1  }
0x5c: {  	v1 =	vld [tilespmem:s5+$0x10];
	v8 =	vmul.f32 v8, v0;
	[tilespmem:s3+$0x20] =	vst v2  }
0x5d: {  	v6 =	vmul.f32 v6, v0;
	v2 =	vld [tilespmem:s5+$0x20];
	[tilespmem:s3+$0xFFFFFFC0] =	vst v4;
	s3 =	smov.u32 s5  }
0x5e: {  	s5 =	sadd.s32 $0x80, s5;
	v4 =	vld [tilespmem:s3+$0xFFFFFFC0];
	v7 =	vmul.f32 v7, v0;
	[tilespmem:s3+$0x30] =	vst v8  }
0x5f: {  	[tilespmem:s3+$0xFFFFFFD0] =	vst v6;
	v5 =	vmul.f32 v5, v0  }
0x60: {  	[tilespmem:s3+$0xFFFFFFE0] =	vst v7;
	v3 =	vmul.f32 v3, v0  }
0x61: {  	[tilespmem:s3+$0xFFFFFFF0] =	vst v5;
	v1 =	vmul.f32 v1, v0  }
0x62: {  	s4 =	sshll.u32 s1, $0x4;
	[tilespmem:s3+$0x0] =	vst v3;
	v2 =	vmul.f32 v2, v0  }
0x63: {  	s5 =	sshll.u32 s1, $0x9;
	s28 =	simm.s32 $0x80;
	s4 =	sand.u32 $0x70, s4;
	v63 =	vmul.f32 v4, v0;
	[tilespmem:s3+$0x10] =	vst v1  }
0x64: {  	s29 =	simm.s32 $0x400;
	s5 =	sand.u32 $0x1000, s5;
	s2 =	sadd.s32 s2, s4;
	[tilespmem:s3+$0x20] =	vst v2  }
0x65: {  	s30 =	simm.s32 $0x100;
	s31 =	simm.s32 $0x2;
	s2 =	sadd.s32 s5, s2;
	[tilespmem:s3+$0xFFFFFFC0] =	vst v63  }
0x66: {  	[hbm4b:s2+s28] =	stream.strided.scatter [tilespmem:s30], [sflag:$0x2], $0x1000, s29, s28, $0x38;
	[tilespmem:$0x1100] =	vst v63  }
0x67: {  	_ =	swait.ge [sflag:s31], $0x1000  }
0x68: {  	[sflag:s31] =	ssyncset.done $0x0  }
0x69: {  	[sflag:s31] =	ssyncadd.s32 $0xFFFFF000  }
0x6a: {  	_ =	sfence.sel $0x180000  }
0x6b: {  	[bflag:$0x0] =	sbarrier.arrive $0xFFFF  }
0x6c: {  	p0 =	sne.s32 s1, $0x0;
	_ =	strace $0x90000047  }
0x6d: {  	s0 =	sadd.s32 @!p0 $0x100000, s0;
	[bflag:$0x2] =	sbarrier.arrive $0xFFFF  }
0x6e: {  	[sflag:s0] =	ssyncadd.tile.s32 @!p0 $0x1;
	_ =	shalt  }
.Lfunc_end2:
_tile_overlayer_lowered:
.L_overlay_start_2:
0x6f: {  	(tag) =	ssettag $0x2  }
0x70: {  	s0 =	rddreg [dreg:$0x0];
	s2 =	stileid.u32  }
0x71: {  	s1 =	rddreg [dreg:$0x1];
	p0 =	sne.s32 s2, $0x0  }
0x72: {  	s3 =	rddreg [dreg:$0x2];
	[bflag:$0x3] =	sbarrier.arrive $0xFFFF;
	s2 =	simm.s32 @!p0 $0x1C02  }
0x73: {  	[timem:s3], [sflag:s2] =	dma.local @!p0 [hbm:s0], s1  }
0x74: {  	s0 =	simm.s32 @!p0 $0x2  }
0x75: {  	_ =	swait.ge @!p0 [sflag:s0], s1  }
0x76: {  	s1 =	ssub.s32 @!p0 $0x0, s1;
	[sflag:s0] =	ssyncset.done @!p0 $0x0  }
0x77: {  	[sflag:s0] =	ssyncadd.s32 @!p0 s1  }
0x78: {  	[bflag:$0x3] =	sbarrier.arrive $0xFFFF  }
0x79: {  	_ =	shalt  }

</sc_bundles>
